<compile_context>
chip_gen: v7x
topology: tpu7x:2x2x1
jax: 0.10.2.dev20260603
libtpu: 0.0.44.dev20260713+nightly
codegen_flags: <defaults>
</compile_context>

<pallas_src>
import functools

import jax
import jax.numpy as jnp
from jax.experimental import pallas as pl
from jax.experimental.pallas import tpu as pltpu

THRESH = 50.0
KWTA = 16

T = 16
K = 1024
RED = 65536

KC = 32
CBLK = RED // KC


def _matmul_kernel(a_ref, w_ref, pot_ref):
    c = pl.program_id(0)

    @pl.when(c == 0)
    def _init():
        pot_ref[...] = jnp.zeros_like(pot_ref)

    acc = jax.lax.dot_general(
        a_ref[...], w_ref[...],
        dimension_numbers=(((1,), (1,)), ((), ())),
        preferred_element_type=jnp.float32,
    )
    pot_ref[...] += acc

    @pl.when(c == KC - 1)
    def _threshold():
        v = pot_ref[...]
        pot_ref[...] = jnp.where(v > THRESH, v, 0.0)


def _epilogue_kernel(pot_ref, out_ref):
    pot = pot_ref[...]
    spikes = (pot > 0.0).astype(jnp.float32)
    vmax = jnp.max(pot) * T
    totals = jnp.sum(pot + spikes * vmax, axis=0, keepdims=True)

    iota = jax.lax.broadcasted_iota(jnp.int32, (1, K), 1)
    mask = jnp.zeros((1, K), jnp.float32)
    work = totals
    for _ in range(KWTA):
        m = jnp.max(work)
        idx = jnp.min(jnp.where(work == m, iota, K))
        won = (m > 0.0).astype(jnp.float32)
        sel = (iota == idx)
        mask = mask + jnp.where(sel, won, 0.0)
        work = jnp.where(sel, -jnp.inf, work)

    out_ref[...] = spikes * mask


@jax.jit
def kernel(rec_field, W):
    A = rec_field.reshape(T, RED)
    Wm = W.reshape(K, RED)

    pot = pl.pallas_call(
        _matmul_kernel,
        grid=(KC,),
        in_specs=[
            pl.BlockSpec((T, CBLK), lambda c: (0, c)),
            pl.BlockSpec((K, CBLK), lambda c: (0, c)),
        ],
        out_specs=pl.BlockSpec((T, K), lambda c: (0, 0)),
        out_shape=jax.ShapeDtypeStruct((T, K), jnp.float32),
    )(A, Wm)

    spikes_masked = pl.pallas_call(
        _epilogue_kernel,
        out_shape=jax.ShapeDtypeStruct((T, K), jnp.float32),
    )(pot)

    return spikes_masked.reshape(T, K, 1, 1)

# --- scband reference (transcript-rebuilt; emitter-appended) ---
"""Pipeline reference for scband-column-82136954569126 (READ-ONLY COPY).

The authoritative reference and input builder live on the scoring server;
editing this copy changes nothing except your own understanding.
"""

import jax, jax.numpy as jnp
import numpy as np

THRESH = 50.0
KWTA = 16
TIMESTEPS = 16
K = 1024
RF = 256
LENGTH = 256
INCH = 1


def setup_inputs(seed: int = 0):
    key = jax.random.key(seed)
    k1, k2 = jax.random.split(key)
    rec_field = jax.random.normal(k1, (TIMESTEPS, INCH, RF, LENGTH), dtype=jnp.float32)
    # LocalConvolution weight: kernel_size=(length, rf_size) with output spatial (1,1)
    W = jax.random.normal(k2, (K, INCH, LENGTH, RF), dtype=jnp.float32)
    return {"rec_field": rec_field, "W": W}


def reference(rec_field, W):
    T = rec_field.shape[0]
    # LocalConvolution with 1x1 output spatial == per-feature dot product
    out = jnp.einsum('tihw,oihw->to', rec_field, W)[:, :, None, None]  # [T, K, 1, 1]
    # sf.fire(out, thresh, True): F.threshold_ (x <= thresh -> 0), spike = sign(pot)
    pot = jnp.where(out > THRESH, out, 0.0)
    spikes = jnp.sign(pot)
    # sf.get_k_winners(pot, kwta, inhibition_radius=0)
    truncated_pot = spikes * pot
    v = truncated_pot.max() * T
    truncated_pot = truncated_pot + spikes * v
    total = truncated_pot.sum(axis=0).reshape(-1)  # [K] (spatial is 1x1)
    vals, idxs = jax.lax.top_k(total, KWTA)
    valid = (vals > 0).astype(out.dtype)
    # coef[:, winners, :, :] = 1
    mask = jnp.clip(jnp.sum(jax.nn.one_hot(idxs, out.shape[1], dtype=out.dtype) * valid[:, None], axis=0), 0.0, 1.0)
    coef = jnp.broadcast_to(mask[None, :, None, None], out.shape)
    return jnp.sign(pot * coef)

if __name__ == "__main__":
    import jax
    _d = setup_inputs()
    print(jax.jit(kernel)(*tuple(_d.values())))

</pallas_src>

<mosaic_0001>
module attributes {stable_mosaic.version = 14 : i64} {
  func.func @_matmul_kernel(%arg0: i32, %arg1: memref<16x2048xf32, #tpu.memory_space<vmem>>, %arg2: memref<1024x2048xf32, #tpu.memory_space<vmem>>, %arg3: memref<16x1024xf32, #tpu.memory_space<vmem>>) attributes {dimension_semantics = [#tpu.dimension_semantics<arbitrary>], iteration_bounds = array<i64: 32>, scalar_prefetch = 0 : i64, scratch_operands = 0 : i64, tpu.core_type = #tpu.core_type<tc>, window_params = [{transform_indices = @transform_0, window_bounds = array<i64: 16, 2048>}, {transform_indices = @transform_1, window_bounds = array<i64: 1024, 2048>}, {pipeline_mode = #tpu.pipeline_mode<synchronous>, transform_indices = @transform_2, window_bounds = array<i64: 16, 1024>}]} {
    %eq3A = arith.constant 0 : i32
    %eq3A_0 = arith.cmpi eq, %arg0, %eq3A : i32
    %convert_element_type3A = arith.extui %eq3A_0 : i1 to i32
    %cond3A = arith.constant 0 : i32
    %cond3A_1 = arith.cmpi ne, %convert_element_type3A, %cond3A : i32
    scf.if %cond3A_1 {
      %broadcast_in_dim3A = arith.constant 0.000000e+00 : f32
      %broadcast_in_dim3A_18 = vector.broadcast %broadcast_in_dim3A : f32 to vector<16x1024xf32>
      %swap3A_19 = arith.constant 0 : index
      %swap3A_20 = arith.constant 0 : index
      %swap3A_21 = vector.load %arg3[%swap3A_19, %swap3A_20] : memref<16x1024xf32, #tpu.memory_space<vmem>>, vector<16x1024xf32>
      tpu.vector_store %arg3[%swap3A_19, %swap3A_20], %broadcast_in_dim3A_18 {strides = array<i32>} : memref<16x1024xf32, #tpu.memory_space<vmem>>, vector<16x1024xf32>,
    } else {
    }
    %get3A = arith.constant 0 : index
    %get3A_2 = arith.constant 0 : index
    %get3A_3 = vector.load %arg1[%get3A, %get3A_2] : memref<16x2048xf32, #tpu.memory_space<vmem>>, vector<16x2048xf32>
    %get3A_4 = arith.constant 0 : index
    %get3A_5 = arith.constant 0 : index
    %get3A_6 = vector.load %arg2[%get3A_4, %get3A_5] : memref<1024x2048xf32, #tpu.memory_space<vmem>>, vector<1024x2048xf32>
    %dot_general3A = arith.constant dense<0.000000e+00> : vector<16x1024xf32>
    %dot_general3A_7 = tpu.matmul %get3A_3, %get3A_6, %dot_general3A {dimension_numbers = #tpu.dot_dimension_numbers<[1], [1], [0], [0], [0, 0, 1, 0], [], []>, transpose_lhs_hint = false} : vector<16x2048xf32>, vector<1024x2048xf32>, vector<16x1024xf32> -> vector<16x1024xf32>
    %get3A_8 = arith.constant 0 : index
    %get3A_9 = arith.constant 0 : index
    %get3A_10 = vector.load %arg3[%get3A_8, %get3A_9] : memref<16x1024xf32, #tpu.memory_space<vmem>>, vector<16x1024xf32>
    %add3A = arith.addf %get3A_10, %dot_general3A_7 : vector<16x1024xf32>
    %swap3A = arith.constant 0 : index
    %swap3A_11 = arith.constant 0 : index
    %swap3A_12 = vector.load %arg3[%swap3A, %swap3A_11] : memref<16x1024xf32, #tpu.memory_space<vmem>>, vector<16x1024xf32>
    tpu.vector_store %arg3[%swap3A, %swap3A_11], %add3A {strides = array<i32>} : memref<16x1024xf32, #tpu.memory_space<vmem>>, vector<16x1024xf32>,
    %eq3A_13 = arith.constant 31 : i32
    %eq3A_14 = arith.cmpi eq, %arg0, %eq3A_13 : i32
    %convert_element_type3A_15 = arith.extui %eq3A_14 : i1 to i32
    %cond3A_16 = arith.constant 0 : i32
    %cond3A_17 = arith.cmpi ne, %convert_element_type3A_15, %cond3A_16 : i32
    scf.if %cond3A_17 {
      %get3A_18 = arith.constant 0 : index
      %get3A_19 = arith.constant 0 : index
      %get3A_20 = vector.load %arg3[%get3A_18, %get3A_19] : memref<16x1024xf32, #tpu.memory_space<vmem>>, vector<16x1024xf32>
      %gt3A = arith.constant 5.000000e+01 : f32
      %gt3A_21 = vector.broadcast %gt3A : f32 to vector<16x1024xf32>
      %gt3A_22 = arith.cmpf ogt, %get3A_20, %gt3A_21 : vector<16x1024xf32>
      %jit3A = arith.constant 0.000000e+00 : f32
      %broadcast_in_dim3A = vector.broadcast %jit3A : f32 to vector<16x1024xf32>
      %select_n3A = arith.select %gt3A_22, %get3A_20, %broadcast_in_dim3A : vector<16x1024xi1>, vector<16x1024xf32>
      %swap3A_23 = arith.constant 0 : index
      %swap3A_24 = arith.constant 0 : index
      %swap3A_25 = vector.load %arg3[%swap3A_23, %swap3A_24] : memref<16x1024xf32, #tpu.memory_space<vmem>>, vector<16x1024xf32>
      tpu.vector_store %arg3[%swap3A_23, %swap3A_24], %select_n3A {strides = array<i32>} : memref<16x1024xf32, #tpu.memory_space<vmem>>, vector<16x1024xf32>,
    } else {
    }
    return
  }
  func.func @transform_0(%arg0: i32) -> (i32, i32) {
    %c0_i32 = arith.constant 0 : i32
    %c0_i32_0 = arith.constant 0 : i32
    return %c0_i32, %arg0 : i32, i32
  }
  func.func @transform_1(%arg0: i32) -> (i32, i32) {
    %c0_i32 = arith.constant 0 : i32
    %c0_i32_0 = arith.constant 0 : i32
    return %c0_i32, %arg0 : i32, i32
  }
  func.func @transform_2(%arg0: i32) -> (i32, i32) {
    %c0_i32 = arith.constant 0 : i32
    %c0_i32_0 = arith.constant 0 : i32
    %c0_i32_1 = arith.constant 0 : i32
    return %c0_i32, %c0_i32_0 : i32, i32
  }
}

module attributes {stable_mosaic.version = 14 : i64} {
  func.func @_epilogue_kernel(%arg0: memref<16x1024xf32, #tpu.memory_space<vmem>>, %arg1: memref<16x1024xf32, #tpu.memory_space<vmem>>) attributes {dimension_semantics = [], scalar_prefetch = 0 : i64, scratch_operands = 0 : i64, tpu.core_type = #tpu.core_type<tc>} {
    %get3A = arith.constant 0 : index
    %get3A_0 = arith.constant 0 : index
    %get3A_1 = vector.load %arg0[%get3A, %get3A_0] : memref<16x1024xf32, #tpu.memory_space<vmem>>, vector<16x1024xf32>
    %gt3A = arith.constant 0.000000e+00 : f32
    %gt3A_2 = vector.broadcast %gt3A : f32 to vector<16x1024xf32>
    %gt3A_3 = arith.cmpf ogt, %get3A_1, %gt3A_2 : vector<16x1024xf32>
    %convert_element_type3A = arith.extui %gt3A_3 : vector<16x1024xi1> to vector<16x1024xi32>
    %convert_element_type3A_4 = arith.sitofp %convert_element_type3A : vector<16x1024xi32> to vector<16x1024xf32>
    %reduce_max3A = vector.shape_cast %get3A_1 : vector<16x1024xf32> to vector<1x16x1024xf32>
    %reduce_max3A_5 = arith.constant dense<0xFF800000> : vector<1xf32>
    %reduce_max3A_6 = vector.multi_reduction <maximumf>, %reduce_max3A, %reduce_max3A_5 [1, 2] : vector<1x16x1024xf32> to vector<1xf32>
    %reduce_max3A_7 = vector.shape_cast %reduce_max3A_6 : vector<1xf32> to vector<1x1x1xf32>
    %reduce_max3A_8 = vector.extract %reduce_max3A_7[0, 0, 0] : f32 from vector<1x1x1xf32>
    %mul3A = arith.constant 1.600000e+01 : f32
    %mul3A_9 = arith.mulf %reduce_max3A_8, %mul3A : f32
    %mul3A_10 = vector.broadcast %mul3A_9 : f32 to vector<16x1024xf32>
    %mul3A_11 = arith.mulf %convert_element_type3A_4, %mul3A_10 : vector<16x1024xf32>
    %add3A = arith.addf %get3A_1, %mul3A_11 : vector<16x1024xf32>
    %reduce_sum3A = arith.constant dense<0.000000e+00> : vector<1024xf32>
    %reduce_sum3A_12 = vector.multi_reduction <add>, %add3A, %reduce_sum3A [0] : vector<16x1024xf32> to vector<1024xf32>
    %broadcast_in_dim3A = vector.shape_cast %reduce_sum3A_12 : vector<1024xf32> to vector<1x1024xf32>
    %iota3A = tpu.iota {dimensions = array<i32: 1>} : vector<1x1024xi32>
    %broadcast_in_dim3A_13 = arith.constant 0.000000e+00 : f32
    %broadcast_in_dim3A_14 = vector.broadcast %broadcast_in_dim3A_13 : f32 to vector<1x1024xf32>
    %reduce_max3A_15 = vector.shape_cast %broadcast_in_dim3A : vector<1x1024xf32> to vector<1x1x1024xf32>
    %reduce_max3A_16 = arith.constant dense<0xFF800000> : vector<1xf32>
    %reduce_max3A_17 = vector.multi_reduction <maximumf>, %reduce_max3A_15, %reduce_max3A_16 [1, 2] : vector<1x1x1024xf32> to vector<1xf32>
    %reduce_max3A_18 = vector.shape_cast %reduce_max3A_17 : vector<1xf32> to vector<1x1x1xf32>
    %reduce_max3A_19 = vector.extract %reduce_max3A_18[0, 0, 0] : f32 from vector<1x1x1xf32>
    %eq3A = vector.broadcast %reduce_max3A_19 : f32 to vector<1x1024xf32>
    %eq3A_20 = arith.cmpf oeq, %broadcast_in_dim3A, %eq3A : vector<1x1024xf32>
    %jit3A = arith.constant 1024 : i32
    %broadcast_in_dim3A_21 = vector.broadcast %jit3A : i32 to vector<1x1024xi32>
    %select_n3A = arith.select %eq3A_20, %iota3A, %broadcast_in_dim3A_21 : vector<1x1024xi1>, vector<1x1024xi32>
    %reduce_min3A = vector.shape_cast %select_n3A : vector<1x1024xi32> to vector<1x1x1024xi32>
    %reduce_min3A_22 = arith.constant dense<2147483647> : vector<1xi32>
    %reduce_min3A_23 = vector.multi_reduction <minsi>, %reduce_min3A, %reduce_min3A_22 [1, 2] : vector<1x1x1024xi32> to vector<1xi32>
    %reduce_min3A_24 = vector.shape_cast %reduce_min3A_23 : vector<1xi32> to vector<1x1x1xi32>
    %reduce_min3A_25 = vector.extract %reduce_min3A_24[0, 0, 0] : i32 from vector<1x1x1xi32>
    %gt3A_26 = arith.constant 0.000000e+00 : f32
    %gt3A_27 = arith.cmpf ogt, %reduce_max3A_19, %gt3A_26 : f32
    %convert_element_type3A_28 = arith.extui %gt3A_27 : i1 to i32
    %convert_element_type3A_29 = arith.sitofp %convert_element_type3A_28 : i32 to f32
    %eq3A_30 = vector.broadcast %reduce_min3A_25 : i32 to vector<1x1024xi32>
    %eq3A_31 = arith.cmpi eq, %iota3A, %eq3A_30 : vector<1x1024xi32>
    %jit3A_32 = arith.constant 0.000000e+00 : f32
    %broadcast_in_dim3A_33 = vector.broadcast %convert_element_type3A_29 : f32 to vector<1x1024xf32>
    %broadcast_in_dim3A_34 = vector.broadcast %jit3A_32 : f32 to vector<1x1024xf32>
    %select_n3A_35 = arith.select %eq3A_31, %broadcast_in_dim3A_33, %broadcast_in_dim3A_34 : vector<1x1024xi1>, vector<1x1024xf32>
    %add3A_36 = arith.addf %broadcast_in_dim3A_14, %select_n3A_35 : vector<1x1024xf32>
    %jit3A_37 = arith.constant 0xFF800000 : f32
    %broadcast_in_dim3A_38 = vector.broadcast %jit3A_37 : f32 to vector<1x1024xf32>
    %select_n3A_39 = arith.select %eq3A_31, %broadcast_in_dim3A_38, %broadcast_in_dim3A : vector<1x1024xi1>, vector<1x1024xf32>
    %reduce_max3A_40 = vector.shape_cast %select_n3A_39 : vector<1x1024xf32> to vector<1x1x1024xf32>
    %reduce_max3A_41 = arith.constant dense<0xFF800000> : vector<1xf32>
    %reduce_max3A_42 = vector.multi_reduction <maximumf>, %reduce_max3A_40, %reduce_max3A_41 [1, 2] : vector<1x1x1024xf32> to vector<1xf32>
    %reduce_max3A_43 = vector.shape_cast %reduce_max3A_42 : vector<1xf32> to vector<1x1x1xf32>
    %reduce_max3A_44 = vector.extract %reduce_max3A_43[0, 0, 0] : f32 from vector<1x1x1xf32>
    %eq3A_45 = vector.broadcast %reduce_max3A_44 : f32 to vector<1x1024xf32>
    %eq3A_46 = arith.cmpf oeq, %select_n3A_39, %eq3A_45 : vector<1x1024xf32>
    %jit3A_47 = arith.constant 1024 : i32
    %broadcast_in_dim3A_48 = vector.broadcast %jit3A_47 : i32 to vector<1x1024xi32>
    %select_n3A_49 = arith.select %eq3A_46, %iota3A, %broadcast_in_dim3A_48 : vector<1x1024xi1>, vector<1x1024xi32>
    %reduce_min3A_50 = vector.shape_cast %select_n3A_49 : vector<1x1024xi32> to vector<1x1x1024xi32>
    %reduce_min3A_51 = arith.constant dense<2147483647> : vector<1xi32>
    %reduce_min3A_52 = vector.multi_reduction <minsi>, %reduce_min3A_50, %reduce_min3A_51 [1, 2] : vector<1x1x1024xi32> to vector<1xi32>
    %reduce_min3A_53 = vector.shape_cast %reduce_min3A_52 : vector<1xi32> to vector<1x1x1xi32>
    %reduce_min3A_54 = vector.extract %reduce_min3A_53[0, 0, 0] : i32 from vector<1x1x1xi32>
    %gt3A_55 = arith.constant 0.000000e+00 : f32
    %gt3A_56 = arith.cmpf ogt, %reduce_max3A_44, %gt3A_55 : f32
    %convert_element_type3A_57 = arith.extui %gt3A_56 : i1 to i32
    %convert_element_type3A_58 = arith.sitofp %convert_element_type3A_57 : i32 to f32
    %eq3A_59 = vector.broadcast %reduce_min3A_54 : i32 to vector<1x1024xi32>
    %eq3A_60 = arith.cmpi eq, %iota3A, %eq3A_59 : vector<1x1024xi32>
    %jit3A_61 = arith.constant 0.000000e+00 : f32
    %broadcast_in_dim3A_62 = vector.broadcast %convert_element_type3A_58 : f32 to vector<1x1024xf32>
    %broadcast_in_dim3A_63 = vector.broadcast %jit3A_61 : f32 to vector<1x1024xf32>
    %select_n3A_64 = arith.select %eq3A_60, %broadcast_in_dim3A_62, %broadcast_in_dim3A_63 : vector<1x1024xi1>, vector<1x1024xf32>
    %add3A_65 = arith.addf %add3A_36, %select_n3A_64 : vector<1x1024xf32>
    %jit3A_66 = arith.constant 0xFF800000 : f32
    %broadcast_in_dim3A_67 = vector.broadcast %jit3A_66 : f32 to vector<1x1024xf32>
    %select_n3A_68 = arith.select %eq3A_60, %broadcast_in_dim3A_67, %select_n3A_39 : vector<1x1024xi1>, vector<1x1024xf32>
    %reduce_max3A_69 = vector.shape_cast %select_n3A_68 : vector<1x1024xf32> to vector<1x1x1024xf32>
    %reduce_max3A_70 = arith.constant dense<0xFF800000> : vector<1xf32>
    %reduce_max3A_71 = vector.multi_reduction <maximumf>, %reduce_max3A_69, %reduce_max3A_70 [1, 2] : vector<1x1x1024xf32> to vector<1xf32>
    %reduce_max3A_72 = vector.shape_cast %reduce_max3A_71 : vector<1xf32> to vector<1x1x1xf32>
    %reduce_max3A_73 = vector.extract %reduce_max3A_72[0, 0, 0] : f32 from vector<1x1x1xf32>
    %eq3A_74 = vector.broadcast %reduce_max3A_73 : f32 to vector<1x1024xf32>
    %eq3A_75 = arith.cmpf oeq, %select_n3A_68, %eq3A_74 : vector<1x1024xf32>
    %jit3A_76 = arith.constant 1024 : i32
    %broadcast_in_dim3A_77 = vector.broadcast %jit3A_76 : i32 to vector<1x1024xi32>
    %select_n3A_78 = arith.select %eq3A_75, %iota3A, %broadcast_in_dim3A_77 : vector<1x1024xi1>, vector<1x1024xi32>
    %reduce_min3A_79 = vector.shape_cast %select_n3A_78 : vector<1x1024xi32> to vector<1x1x1024xi32>
    %reduce_min3A_80 = arith.constant dense<2147483647> : vector<1xi32>
    %reduce_min3A_81 = vector.multi_reduction <minsi>, %reduce_min3A_79, %reduce_min3A_80 [1, 2] : vector<1x1x1024xi32> to vector<1xi32>
    %reduce_min3A_82 = vector.shape_cast %reduce_min3A_81 : vector<1xi32> to vector<1x1x1xi32>
    %reduce_min3A_83 = vector.extract %reduce_min3A_82[0, 0, 0] : i32 from vector<1x1x1xi32>
    %gt3A_84 = arith.constant 0.000000e+00 : f32
    %gt3A_85 = arith.cmpf ogt, %reduce_max3A_73, %gt3A_84 : f32
    %convert_element_type3A_86 = arith.extui %gt3A_85 : i1 to i32
    %convert_element_type3A_87 = arith.sitofp %convert_element_type3A_86 : i32 to f32
    %eq3A_88 = vector.broadcast %reduce_min3A_83 : i32 to vector<1x1024xi32>
    %eq3A_89 = arith.cmpi eq, %iota3A, %eq3A_88 : vector<1x1024xi32>
    %jit3A_90 = arith.constant 0.000000e+00 : f32
    %broadcast_in_dim3A_91 = vector.broadcast %convert_element_type3A_87 : f32 to vector<1x1024xf32>
    %broadcast_in_dim3A_92 = vector.broadcast %jit3A_90 : f32 to vector<1x1024xf32>
    %select_n3A_93 = arith.select %eq3A_89, %broadcast_in_dim3A_91, %broadcast_in_dim3A_92 : vector<1x1024xi1>, vector<1x1024xf32>
    %add3A_94 = arith.addf %add3A_65, %select_n3A_93 : vector<1x1024xf32>
    %jit3A_95 = arith.constant 0xFF800000 : f32
    %broadcast_in_dim3A_96 = vector.broadcast %jit3A_95 : f32 to vector<1x1024xf32>
    %select_n3A_97 = arith.select %eq3A_89, %broadcast_in_dim3A_96, %select_n3A_68 : vector<1x1024xi1>, vector<1x1024xf32>
    %reduce_max3A_98 = vector.shape_cast %select_n3A_97 : vector<1x1024xf32> to vector<1x1x1024xf32>
    %reduce_max3A_99 = arith.constant dense<0xFF800000> : vector<1xf32>
    %reduce_max3A_100 = vector.multi_reduction <maximumf>, %reduce_max3A_98, %reduce_max3A_99 [1, 2] : vector<1x1x1024xf32> to vector<1xf32>
    %reduce_max3A_101 = vector.shape_cast %reduce_max3A_100 : vector<1xf32> to vector<1x1x1xf32>
    %reduce_max3A_102 = vector.extract %reduce_max3A_101[0, 0, 0] : f32 from vector<1x1x1xf32>
    %eq3A_103 = vector.broadcast %reduce_max3A_102 : f32 to vector<1x1024xf32>
    %eq3A_104 = arith.cmpf oeq, %select_n3A_97, %eq3A_103 : vector<1x1024xf32>
    %jit3A_105 = arith.constant 1024 : i32
    %broadcast_in_dim3A_106 = vector.broadcast %jit3A_105 : i32 to vector<1x1024xi32>
    %select_n3A_107 = arith.select %eq3A_104, %iota3A, %broadcast_in_dim3A_106 : vector<1x1024xi1>, vector<1x1024xi32>
    %reduce_min3A_108 = vector.shape_cast %select_n3A_107 : vector<1x1024xi32> to vector<1x1x1024xi32>
    %reduce_min3A_109 = arith.constant dense<2147483647> : vector<1xi32>
    %reduce_min3A_110 = vector.multi_reduction <minsi>, %reduce_min3A_108, %reduce_min3A_109 [1, 2] : vector<1x1x1024xi32> to vector<1xi32>
    %reduce_min3A_111 = vector.shape_cast %reduce_min3A_110 : vector<1xi32> to vector<1x1x1xi32>
    %reduce_min3A_112 = vector.extract %reduce_min3A_111[0, 0, 0] : i32 from vector<1x1x1xi32>
    %gt3A_113 = arith.constant 0.000000e+00 : f32
    %gt3A_114 = arith.cmpf ogt, %reduce_max3A_102, %gt3A_113 : f32
    %convert_element_type3A_115 = arith.extui %gt3A_114 : i1 to i32
    %convert_element_type3A_116 = arith.sitofp %convert_element_type3A_115 : i32 to f32
    %eq3A_117 = vector.broadcast %reduce_min3A_112 : i32 to vector<1x1024xi32>
    %eq3A_118 = arith.cmpi eq, %iota3A, %eq3A_117 : vector<1x1024xi32>
    %jit3A_119 = arith.constant 0.000000e+00 : f32
    %broadcast_in_dim3A_120 = vector.broadcast %convert_element_type3A_116 : f32 to vector<1x1024xf32>
    %broadcast_in_dim3A_121 = vector.broadcast %jit3A_119 : f32 to vector<1x1024xf32>
    %select_n3A_122 = arith.select %eq3A_118, %broadcast_in_dim3A_120, %broadcast_in_dim3A_121 : vector<1x1024xi1>, vector<1x1024xf32>
    %add3A_123 = arith.addf %add3A_94, %select_n3A_122 : vector<1x1024xf32>
    %jit3A_124 = arith.constant 0xFF800000 : f32
    %broadcast_in_dim3A_125 = vector.broadcast %jit3A_124 : f32 to vector<1x1024xf32>
    %select_n3A_126 = arith.select %eq3A_118, %broadcast_in_dim3A_125, %select_n3A_97 : vector<1x1024xi1>, vector<1x1024xf32>
    %reduce_max3A_127 = vector.shape_cast %select_n3A_126 : vector<1x1024xf32> to vector<1x1x1024xf32>
    %reduce_max3A_128 = arith.constant dense<0xFF800000> : vector<1xf32>
    %reduce_max3A_129 = vector.multi_reduction <maximumf>, %reduce_max3A_127, %reduce_max3A_128 [1, 2] : vector<1x1x1024xf32> to vector<1xf32>
    %reduce_max3A_130 = vector.shape_cast %reduce_max3A_129 : vector<1xf32> to vector<1x1x1xf32>
    %reduce_max3A_131 = vector.extract %reduce_max3A_130[0, 0, 0] : f32 from vector<1x1x1xf32>
    %eq3A_132 = vector.broadcast %reduce_max3A_131 : f32 to vector<1x1024xf32>
    %eq3A_133 = arith.cmpf oeq, %select_n3A_126, %eq3A_132 : vector<1x1024xf32>
    %jit3A_134 = arith.constant 1024 : i32
    %broadcast_in_dim3A_135 = vector.broadcast %jit3A_134 : i32 to vector<1x1024xi32>
    %select_n3A_136 = arith.select %eq3A_133, %iota3A, %broadcast_in_dim3A_135 : vector<1x1024xi1>, vector<1x1024xi32>
    %reduce_min3A_137 = vector.shape_cast %select_n3A_136 : vector<1x1024xi32> to vector<1x1x1024xi32>
    %reduce_min3A_138 = arith.constant dense<2147483647> : vector<1xi32>
    %reduce_min3A_139 = vector.multi_reduction <minsi>, %reduce_min3A_137, %reduce_min3A_138 [1, 2] : vector<1x1x1024xi32> to vector<1xi32>
    %reduce_min3A_140 = vector.shape_cast %reduce_min3A_139 : vector<1xi32> to vector<1x1x1xi32>
    %reduce_min3A_141 = vector.extract %reduce_min3A_140[0, 0, 0] : i32 from vector<1x1x1xi32>
    %gt3A_142 = arith.constant 0.000000e+00 : f32
    %gt3A_143 = arith.cmpf ogt, %reduce_max3A_131, %gt3A_142 : f32
    %convert_element_type3A_144 = arith.extui %gt3A_143 : i1 to i32
    %convert_element_type3A_145 = arith.sitofp %convert_element_type3A_144 : i32 to f32
    %eq3A_146 = vector.broadcast %reduce_min3A_141 : i32 to vector<1x1024xi32>
    %eq3A_147 = arith.cmpi eq, %iota3A, %eq3A_146 : vector<1x1024xi32>
    %jit3A_148 = arith.constant 0.000000e+00 : f32
    %broadcast_in_dim3A_149 = vector.broadcast %convert_element_type3A_145 : f32 to vector<1x1024xf32>
    %broadcast_in_dim3A_150 = vector.broadcast %jit3A_148 : f32 to vector<1x1024xf32>
    %select_n3A_151 = arith.select %eq3A_147, %broadcast_in_dim3A_149, %broadcast_in_dim3A_150 : vector<1x1024xi1>, vector<1x1024xf32>
    %add3A_152 = arith.addf %add3A_123, %select_n3A_151 : vector<1x1024xf32>
    %jit3A_153 = arith.constant 0xFF800000 : f32
    %broadcast_in_dim3A_154 = vector.broadcast %jit3A_153 : f32 to vector<1x1024xf32>
    %select_n3A_155 = arith.select %eq3A_147, %broadcast_in_dim3A_154, %select_n3A_126 : vector<1x1024xi1>, vector<1x1024xf32>
    %reduce_max3A_156 = vector.shape_cast %select_n3A_155 : vector<1x1024xf32> to vector<1x1x1024xf32>
    %reduce_max3A_157 = arith.constant dense<0xFF800000> : vector<1xf32>
    %reduce_max3A_158 = vector.multi_reduction <maximumf>, %reduce_max3A_156, %reduce_max3A_157 [1, 2] : vector<1x1x1024xf32> to vector<1xf32>
    %reduce_max3A_159 = vector.shape_cast %reduce_max3A_158 : vector<1xf32> to vector<1x1x1xf32>
    %reduce_max3A_160 = vector.extract %reduce_max3A_159[0, 0, 0] : f32 from vector<1x1x1xf32>
    %eq3A_161 = vector.broadcast %reduce_max3A_160 : f32 to vector<1x1024xf32>
    %eq3A_162 = arith.cmpf oeq, %select_n3A_155, %eq3A_161 : vector<1x1024xf32>
    %jit3A_163 = arith.constant 1024 : i32
    %broadcast_in_dim3A_164 = vector.broadcast %jit3A_163 : i32 to vector<1x1024xi32>
    %select_n3A_165 = arith.select %eq3A_162, %iota3A, %broadcast_in_dim3A_164 : vector<1x1024xi1>, vector<1x1024xi32>
    %reduce_min3A_166 = vector.shape_cast %select_n3A_165 : vector<1x1024xi32> to vector<1x1x1024xi32>
    %reduce_min3A_167 = arith.constant dense<2147483647> : vector<1xi32>
    %reduce_min3A_168 = vector.multi_reduction <minsi>, %reduce_min3A_166, %reduce_min3A_167 [1, 2] : vector<1x1x1024xi32> to vector<1xi32>
    %reduce_min3A_169 = vector.shape_cast %reduce_min3A_168 : vector<1xi32> to vector<1x1x1xi32>
    %reduce_min3A_170 = vector.extract %reduce_min3A_169[0, 0, 0] : i32 from vector<1x1x1xi32>
    %gt3A_171 = arith.constant 0.000000e+00 : f32
    %gt3A_172 = arith.cmpf ogt, %reduce_max3A_160, %gt3A_171 : f32
    %convert_element_type3A_173 = arith.extui %gt3A_172 : i1 to i32
    %convert_element_type3A_174 = arith.sitofp %convert_element_type3A_173 : i32 to f32
    %eq3A_175 = vector.broadcast %reduce_min3A_170 : i32 to vector<1x1024xi32>
    %eq3A_176 = arith.cmpi eq, %iota3A, %eq3A_175 : vector<1x1024xi32>
    %jit3A_177 = arith.constant 0.000000e+00 : f32
    %broadcast_in_dim3A_178 = vector.broadcast %convert_element_type3A_174 : f32 to vector<1x1024xf32>
    %broadcast_in_dim3A_179 = vector.broadcast %jit3A_177 : f32 to vector<1x1024xf32>
    %select_n3A_180 = arith.select %eq3A_176, %broadcast_in_dim3A_178, %broadcast_in_dim3A_179 : vector<1x1024xi1>, vector<1x1024xf32>
    %add3A_181 = arith.addf %add3A_152, %select_n3A_180 : vector<1x1024xf32>
    %jit3A_182 = arith.constant 0xFF800000 : f32
    %broadcast_in_dim3A_183 = vector.broadcast %jit3A_182 : f32 to vector<1x1024xf32>
    %select_n3A_184 = arith.select %eq3A_176, %broadcast_in_dim3A_183, %select_n3A_155 : vector<1x1024xi1>, vector<1x1024xf32>
    %reduce_max3A_185 = vector.shape_cast %select_n3A_184 : vector<1x1024xf32> to vector<1x1x1024xf32>
    %reduce_max3A_186 = arith.constant dense<0xFF800000> : vector<1xf32>
    %reduce_max3A_187 = vector.multi_reduction <maximumf>, %reduce_max3A_185, %reduce_max3A_186 [1, 2] : vector<1x1x1024xf32> to vector<1xf32>
    %reduce_max3A_188 = vector.shape_cast %reduce_max3A_187 : vector<1xf32> to vector<1x1x1xf32>
    %reduce_max3A_189 = vector.extract %reduce_max3A_188[0, 0, 0] : f32 from vector<1x1x1xf32>
    %eq3A_190 = vector.broadcast %reduce_max3A_189 : f32 to vector<1x1024xf32>
    %eq3A_191 = arith.cmpf oeq, %select_n3A_184, %eq3A_190 : vector<1x1024xf32>
    %jit3A_192 = arith.constant 1024 : i32
    %broadcast_in_dim3A_193 = vector.broadcast %jit3A_192 : i32 to vector<1x1024xi32>
    %select_n3A_194 = arith.select %eq3A_191, %iota3A, %broadcast_in_dim3A_193 : vector<1x1024xi1>, vector<1x1024xi32>
    %reduce_min3A_195 = vector.shape_cast %select_n3A_194 : vector<1x1024xi32> to vector<1x1x1024xi32>
    %reduce_min3A_196 = arith.constant dense<2147483647> : vector<1xi32>
    %reduce_min3A_197 = vector.multi_reduction <minsi>, %reduce_min3A_195, %reduce_min3A_196 [1, 2] : vector<1x1x1024xi32> to vector<1xi32>
    %reduce_min3A_198 = vector.shape_cast %reduce_min3A_197 : vector<1xi32> to vector<1x1x1xi32>
    %reduce_min3A_199 = vector.extract %reduce_min3A_198[0, 0, 0] : i32 from vector<1x1x1xi32>
    %gt3A_200 = arith.constant 0.000000e+00 : f32
    %gt3A_201 = arith.cmpf ogt, %reduce_max3A_189, %gt3A_200 : f32
    %convert_element_type3A_202 = arith.extui %gt3A_201 : i1 to i32
    %convert_element_type3A_203 = arith.sitofp %convert_element_type3A_202 : i32 to f32
    %eq3A_204 = vector.broadcast %reduce_min3A_199 : i32 to vector<1x1024xi32>
    %eq3A_205 = arith.cmpi eq, %iota3A, %eq3A_204 : vector<1x1024xi32>
    %jit3A_206 = arith.constant 0.000000e+00 : f32
    %broadcast_in_dim3A_207 = vector.broadcast %convert_element_type3A_203 : f32 to vector<1x1024xf32>
    %broadcast_in_dim3A_208 = vector.broadcast %jit3A_206 : f32 to vector<1x1024xf32>
    %select_n3A_209 = arith.select %eq3A_205, %broadcast_in_dim3A_207, %broadcast_in_dim3A_208 : vector<1x1024xi1>, vector<1x1024xf32>
    %add3A_210 = arith.addf %add3A_181, %select_n3A_209 : vector<1x1024xf32>
    %jit3A_211 = arith.constant 0xFF800000 : f32
    %broadcast_in_dim3A_212 = vector.broadcast %jit3A_211 : f32 to vector<1x1024xf32>
    %select_n3A_213 = arith.select %eq3A_205, %broadcast_in_dim3A_212, %select_n3A_184 : vector<1x1024xi1>, vector<1x1024xf32>
    %reduce_max3A_214 = vector.shape_cast %select_n3A_213 : vector<1x1024xf32> to vector<1x1x1024xf32>
    %reduce_max3A_215 = arith.constant dense<0xFF800000> : vector<1xf32>
    %reduce_max3A_216 = vector.multi_reduction <maximumf>, %reduce_max3A_214, %reduce_max3A_215 [1, 2] : vector<1x1x1024xf32> to vector<1xf32>
    %reduce_max3A_217 = vector.shape_cast %reduce_max3A_216 : vector<1xf32> to vector<1x1x1xf32>
    %reduce_max3A_218 = vector.extract %reduce_max3A_217[0, 0, 0] : f32 from vector<1x1x1xf32>
    %eq3A_219 = vector.broadcast %reduce_max3A_218 : f32 to vector<1x1024xf32>
    %eq3A_220 = arith.cmpf oeq, %select_n3A_213, %eq3A_219 : vector<1x1024xf32>
    %jit3A_221 = arith.constant 1024 : i32
    %broadcast_in_dim3A_222 = vector.broadcast %jit3A_221 : i32 to vector<1x1024xi32>
    %select_n3A_223 = arith.select %eq3A_220, %iota3A, %broadcast_in_dim3A_222 : vector<1x1024xi1>, vector<1x1024xi32>
    %reduce_min3A_224 = vector.shape_cast %select_n3A_223 : vector<1x1024xi32> to vector<1x1x1024xi32>
    %reduce_min3A_225 = arith.constant dense<2147483647> : vector<1xi32>
    %reduce_min3A_226 = vector.multi_reduction <minsi>, %reduce_min3A_224, %reduce_min3A_225 [1, 2] : vector<1x1x1024xi32> to vector<1xi32>
    %reduce_min3A_227 = vector.shape_cast %reduce_min3A_226 : vector<1xi32> to vector<1x1x1xi32>
    %reduce_min3A_228 = vector.extract %reduce_min3A_227[0, 0, 0] : i32 from vector<1x1x1xi32>
    %gt3A_229 = arith.constant 0.000000e+00 : f32
    %gt3A_230 = arith.cmpf ogt, %reduce_max3A_218, %gt3A_229 : f32
    %convert_element_type3A_231 = arith.extui %gt3A_230 : i1 to i32
    %convert_element_type3A_232 = arith.sitofp %convert_element_type3A_231 : i32 to f32
    %eq3A_233 = vector.broadcast %reduce_min3A_228 : i32 to vector<1x1024xi32>
    %eq3A_234 = arith.cmpi eq, %iota3A, %eq3A_233 : vector<1x1024xi32>
    %jit3A_235 = arith.constant 0.000000e+00 : f32
    %broadcast_in_dim3A_236 = vector.broadcast %convert_element_type3A_232 : f32 to vector<1x1024xf32>
    %broadcast_in_dim3A_237 = vector.broadcast %jit3A_235 : f32 to vector<1x1024xf32>
    %select_n3A_238 = arith.select %eq3A_234, %broadcast_in_dim3A_236, %broadcast_in_dim3A_237 : vector<1x1024xi1>, vector<1x1024xf32>
    %add3A_239 = arith.addf %add3A_210, %select_n3A_238 : vector<1x1024xf32>
    %jit3A_240 = arith.constant 0xFF800000 : f32
    %broadcast_in_dim3A_241 = vector.broadcast %jit3A_240 : f32 to vector<1x1024xf32>
    %select_n3A_242 = arith.select %eq3A_234, %broadcast_in_dim3A_241, %select_n3A_213 : vector<1x1024xi1>, vector<1x1024xf32>
    %reduce_max3A_243 = vector.shape_cast %select_n3A_242 : vector<1x1024xf32> to vector<1x1x1024xf32>
    %reduce_max3A_244 = arith.constant dense<0xFF800000> : vector<1xf32>
    %reduce_max3A_245 = vector.multi_reduction <maximumf>, %reduce_max3A_243, %reduce_max3A_244 [1, 2] : vector<1x1x1024xf32> to vector<1xf32>
    %reduce_max3A_246 = vector.shape_cast %reduce_max3A_245 : vector<1xf32> to vector<1x1x1xf32>
    %reduce_max3A_247 = vector.extract %reduce_max3A_246[0, 0, 0] : f32 from vector<1x1x1xf32>
    %eq3A_248 = vector.broadcast %reduce_max3A_247 : f32 to vector<1x1024xf32>
    %eq3A_249 = arith.cmpf oeq, %select_n3A_242, %eq3A_248 : vector<1x1024xf32>
    %jit3A_250 = arith.constant 1024 : i32
    %broadcast_in_dim3A_251 = vector.broadcast %jit3A_250 : i32 to vector<1x1024xi32>
    %select_n3A_252 = arith.select %eq3A_249, %iota3A, %broadcast_in_dim3A_251 : vector<1x1024xi1>, vector<1x1024xi32>
    %reduce_min3A_253 = vector.shape_cast %select_n3A_252 : vector<1x1024xi32> to vector<1x1x1024xi32>
    %reduce_min3A_254 = arith.constant dense<2147483647> : vector<1xi32>
    %reduce_min3A_255 = vector.multi_reduction <minsi>, %reduce_min3A_253, %reduce_min3A_254 [1, 2] : vector<1x1x1024xi32> to vector<1xi32>
    %reduce_min3A_256 = vector.shape_cast %reduce_min3A_255 : vector<1xi32> to vector<1x1x1xi32>
    %reduce_min3A_257 = vector.extract %reduce_min3A_256[0, 0, 0] : i32 from vector<1x1x1xi32>
    %gt3A_258 = arith.constant 0.000000e+00 : f32
    %gt3A_259 = arith.cmpf ogt, %reduce_max3A_247, %gt3A_258 : f32
    %convert_element_type3A_260 = arith.extui %gt3A_259 : i1 to i32
    %convert_element_type3A_261 = arith.sitofp %convert_element_type3A_260 : i32 to f32
    %eq3A_262 = vector.broadcast %reduce_min3A_257 : i32 to vector<1x1024xi32>
    %eq3A_263 = arith.cmpi eq, %iota3A, %eq3A_262 : vector<1x1024xi32>
    %jit3A_264 = arith.constant 0.000000e+00 : f32
    %broadcast_in_dim3A_265 = vector.broadcast %convert_element_type3A_261 : f32 to vector<1x1024xf32>
    %broadcast_in_dim3A_266 = vector.broadcast %jit3A_264 : f32 to vector<1x1024xf32>
    %select_n3A_267 = arith.select %eq3A_263, %broadcast_in_dim3A_265, %broadcast_in_dim3A_266 : vector<1x1024xi1>, vector<1x1024xf32>
    %add3A_268 = arith.addf %add3A_239, %select_n3A_267 : vector<1x1024xf32>
    %jit3A_269 = arith.constant 0xFF800000 : f32
    %broadcast_in_dim3A_270 = vector.broadcast %jit3A_269 : f32 to vector<1x1024xf32>
    %select_n3A_271 = arith.select %eq3A_263, %broadcast_in_dim3A_270, %select_n3A_242 : vector<1x1024xi1>, vector<1x1024xf32>
    %reduce_max3A_272 = vector.shape_cast %select_n3A_271 : vector<1x1024xf32> to vector<1x1x1024xf32>
    %reduce_max3A_273 = arith.constant dense<0xFF800000> : vector<1xf32>
    %reduce_max3A_274 = vector.multi_reduction <maximumf>, %reduce_max3A_272, %reduce_max3A_273 [1, 2] : vector<1x1x1024xf32> to vector<1xf32>
    %reduce_max3A_275 = vector.shape_cast %reduce_max3A_274 : vector<1xf32> to vector<1x1x1xf32>
    %reduce_max3A_276 = vector.extract %reduce_max3A_275[0, 0, 0] : f32 from vector<1x1x1xf32>
    %eq3A_277 = vector.broadcast %reduce_max3A_276 : f32 to vector<1x1024xf32>
    %eq3A_278 = arith.cmpf oeq, %select_n3A_271, %eq3A_277 : vector<1x1024xf32>
    %jit3A_279 = arith.constant 1024 : i32
    %broadcast_in_dim3A_280 = vector.broadcast %jit3A_279 : i32 to vector<1x1024xi32>
    %select_n3A_281 = arith.select %eq3A_278, %iota3A, %broadcast_in_dim3A_280 : vector<1x1024xi1>, vector<1x1024xi32>
    %reduce_min3A_282 = vector.shape_cast %select_n3A_281 : vector<1x1024xi32> to vector<1x1x1024xi32>
    %reduce_min3A_283 = arith.constant dense<2147483647> : vector<1xi32>
    %reduce_min3A_284 = vector.multi_reduction <minsi>, %reduce_min3A_282, %reduce_min3A_283 [1, 2] : vector<1x1x1024xi32> to vector<1xi32>
    %reduce_min3A_285 = vector.shape_cast %reduce_min3A_284 : vector<1xi32> to vector<1x1x1xi32>
    %reduce_min3A_286 = vector.extract %reduce_min3A_285[0, 0, 0] : i32 from vector<1x1x1xi32>
    %gt3A_287 = arith.constant 0.000000e+00 : f32
    %gt3A_288 = arith.cmpf ogt, %reduce_max3A_276, %gt3A_287 : f32
    %convert_element_type3A_289 = arith.extui %gt3A_288 : i1 to i32
    %convert_element_type3A_290 = arith.sitofp %convert_element_type3A_289 : i32 to f32
    %eq3A_291 = vector.broadcast %reduce_min3A_286 : i32 to vector<1x1024xi32>
    %eq3A_292 = arith.cmpi eq, %iota3A, %eq3A_291 : vector<1x1024xi32>
    %jit3A_293 = arith.constant 0.000000e+00 : f32
    %broadcast_in_dim3A_294 = vector.broadcast %convert_element_type3A_290 : f32 to vector<1x1024xf32>
    %broadcast_in_dim3A_295 = vector.broadcast %jit3A_293 : f32 to vector<1x1024xf32>
    %select_n3A_296 = arith.select %eq3A_292, %broadcast_in_dim3A_294, %broadcast_in_dim3A_295 : vector<1x1024xi1>, vector<1x1024xf32>
    %add3A_297 = arith.addf %add3A_268, %select_n3A_296 : vector<1x1024xf32>
    %jit3A_298 = arith.constant 0xFF800000 : f32
    %broadcast_in_dim3A_299 = vector.broadcast %jit3A_298 : f32 to vector<1x1024xf32>
    %select_n3A_300 = arith.select %eq3A_292, %broadcast_in_dim3A_299, %select_n3A_271 : vector<1x1024xi1>, vector<1x1024xf32>
    %reduce_max3A_301 = vector.shape_cast %select_n3A_300 : vector<1x1024xf32> to vector<1x1x1024xf32>
    %reduce_max3A_302 = arith.constant dense<0xFF800000> : vector<1xf32>
    %reduce_max3A_303 = vector.multi_reduction <maximumf>, %reduce_max3A_301, %reduce_max3A_302 [1, 2] : vector<1x1x1024xf32> to vector<1xf32>
    %reduce_max3A_304 = vector.shape_cast %reduce_max3A_303 : vector<1xf32> to vector<1x1x1xf32>
    %reduce_max3A_305 = vector.extract %reduce_max3A_304[0, 0, 0] : f32 from vector<1x1x1xf32>
    %eq3A_306 = vector.broadcast %reduce_max3A_305 : f32 to vector<1x1024xf32>
    %eq3A_307 = arith.cmpf oeq, %select_n3A_300, %eq3A_306 : vector<1x1024xf32>
    %jit3A_308 = arith.constant 1024 : i32
    %broadcast_in_dim3A_309 = vector.broadcast %jit3A_308 : i32 to vector<1x1024xi32>
    %select_n3A_310 = arith.select %eq3A_307, %iota3A, %broadcast_in_dim3A_309 : vector<1x1024xi1>, vector<1x1024xi32>
    %reduce_min3A_311 = vector.shape_cast %select_n3A_310 : vector<1x1024xi32> to vector<1x1x1024xi32>
    %reduce_min3A_312 = arith.constant dense<2147483647> : vector<1xi32>
    %reduce_min3A_313 = vector.multi_reduction <minsi>, %reduce_min3A_311, %reduce_min3A_312 [1, 2] : vector<1x1x1024xi32> to vector<1xi32>
    %reduce_min3A_314 = vector.shape_cast %reduce_min3A_313 : vector<1xi32> to vector<1x1x1xi32>
    %reduce_min3A_315 = vector.extract %reduce_min3A_314[0, 0, 0] : i32 from vector<1x1x1xi32>
    %gt3A_316 = arith.constant 0.000000e+00 : f32
    %gt3A_317 = arith.cmpf ogt, %reduce_max3A_305, %gt3A_316 : f32
    %convert_element_type3A_318 = arith.extui %gt3A_317 : i1 to i32
    %convert_element_type3A_319 = arith.sitofp %convert_element_type3A_318 : i32 to f32
    %eq3A_320 = vector.broadcast %reduce_min3A_315 : i32 to vector<1x1024xi32>
    %eq3A_321 = arith.cmpi eq, %iota3A, %eq3A_320 : vector<1x1024xi32>
    %jit3A_322 = arith.constant 0.000000e+00 : f32
    %broadcast_in_dim3A_323 = vector.broadcast %convert_element_type3A_319 : f32 to vector<1x1024xf32>
    %broadcast_in_dim3A_324 = vector.broadcast %jit3A_322 : f32 to vector<1x1024xf32>
    %select_n3A_325 = arith.select %eq3A_321, %broadcast_in_dim3A_323, %broadcast_in_dim3A_324 : vector<1x1024xi1>, vector<1x1024xf32>
    %add3A_326 = arith.addf %add3A_297, %select_n3A_325 : vector<1x1024xf32>
    %jit3A_327 = arith.constant 0xFF800000 : f32
    %broadcast_in_dim3A_328 = vector.broadcast %jit3A_327 : f32 to vector<1x1024xf32>
    %select_n3A_329 = arith.select %eq3A_321, %broadcast_in_dim3A_328, %select_n3A_300 : vector<1x1024xi1>, vector<1x1024xf32>
    %reduce_max3A_330 = vector.shape_cast %select_n3A_329 : vector<1x1024xf32> to vector<1x1x1024xf32>
    %reduce_max3A_331 = arith.constant dense<0xFF800000> : vector<1xf32>
    %reduce_max3A_332 = vector.multi_reduction <maximumf>, %reduce_max3A_330, %reduce_max3A_331 [1, 2] : vector<1x1x1024xf32> to vector<1xf32>
    %reduce_max3A_333 = vector.shape_cast %reduce_max3A_332 : vector<1xf32> to vector<1x1x1xf32>
    %reduce_max3A_334 = vector.extract %reduce_max3A_333[0, 0, 0] : f32 from vector<1x1x1xf32>
    %eq3A_335 = vector.broadcast %reduce_max3A_334 : f32 to vector<1x1024xf32>
    %eq3A_336 = arith.cmpf oeq, %select_n3A_329, %eq3A_335 : vector<1x1024xf32>
    %jit3A_337 = arith.constant 1024 : i32
    %broadcast_in_dim3A_338 = vector.broadcast %jit3A_337 : i32 to vector<1x1024xi32>
    %select_n3A_339 = arith.select %eq3A_336, %iota3A, %broadcast_in_dim3A_338 : vector<1x1024xi1>, vector<1x1024xi32>
    %reduce_min3A_340 = vector.shape_cast %select_n3A_339 : vector<1x1024xi32> to vector<1x1x1024xi32>
    %reduce_min3A_341 = arith.constant dense<2147483647> : vector<1xi32>
    %reduce_min3A_342 = vector.multi_reduction <minsi>, %reduce_min3A_340, %reduce_min3A_341 [1, 2] : vector<1x1x1024xi32> to vector<1xi32>
    %reduce_min3A_343 = vector.shape_cast %reduce_min3A_342 : vector<1xi32> to vector<1x1x1xi32>
    %reduce_min3A_344 = vector.extract %reduce_min3A_343[0, 0, 0] : i32 from vector<1x1x1xi32>
    %gt3A_345 = arith.constant 0.000000e+00 : f32
    %gt3A_346 = arith.cmpf ogt, %reduce_max3A_334, %gt3A_345 : f32
    %convert_element_type3A_347 = arith.extui %gt3A_346 : i1 to i32
    %convert_element_type3A_348 = arith.sitofp %convert_element_type3A_347 : i32 to f32
    %eq3A_349 = vector.broadcast %reduce_min3A_344 : i32 to vector<1x1024xi32>
    %eq3A_350 = arith.cmpi eq, %iota3A, %eq3A_349 : vector<1x1024xi32>
    %jit3A_351 = arith.constant 0.000000e+00 : f32
    %broadcast_in_dim3A_352 = vector.broadcast %convert_element_type3A_348 : f32 to vector<1x1024xf32>
    %broadcast_in_dim3A_353 = vector.broadcast %jit3A_351 : f32 to vector<1x1024xf32>
    %select_n3A_354 = arith.select %eq3A_350, %broadcast_in_dim3A_352, %broadcast_in_dim3A_353 : vector<1x1024xi1>, vector<1x1024xf32>
    %add3A_355 = arith.addf %add3A_326, %select_n3A_354 : vector<1x1024xf32>
    %jit3A_356 = arith.constant 0xFF800000 : f32
    %broadcast_in_dim3A_357 = vector.broadcast %jit3A_356 : f32 to vector<1x1024xf32>
    %select_n3A_358 = arith.select %eq3A_350, %broadcast_in_dim3A_357, %select_n3A_329 : vector<1x1024xi1>, vector<1x1024xf32>
    %reduce_max3A_359 = vector.shape_cast %select_n3A_358 : vector<1x1024xf32> to vector<1x1x1024xf32>
    %reduce_max3A_360 = arith.constant dense<0xFF800000> : vector<1xf32>
    %reduce_max3A_361 = vector.multi_reduction <maximumf>, %reduce_max3A_359, %reduce_max3A_360 [1, 2] : vector<1x1x1024xf32> to vector<1xf32>
    %reduce_max3A_362 = vector.shape_cast %reduce_max3A_361 : vector<1xf32> to vector<1x1x1xf32>
    %reduce_max3A_363 = vector.extract %reduce_max3A_362[0, 0, 0] : f32 from vector<1x1x1xf32>
    %eq3A_364 = vector.broadcast %reduce_max3A_363 : f32 to vector<1x1024xf32>
    %eq3A_365 = arith.cmpf oeq, %select_n3A_358, %eq3A_364 : vector<1x1024xf32>
    %jit3A_366 = arith.constant 1024 : i32
    %broadcast_in_dim3A_367 = vector.broadcast %jit3A_366 : i32 to vector<1x1024xi32>
    %select_n3A_368 = arith.select %eq3A_365, %iota3A, %broadcast_in_dim3A_367 : vector<1x1024xi1>, vector<1x1024xi32>
    %reduce_min3A_369 = vector.shape_cast %select_n3A_368 : vector<1x1024xi32> to vector<1x1x1024xi32>
    %reduce_min3A_370 = arith.constant dense<2147483647> : vector<1xi32>
    %reduce_min3A_371 = vector.multi_reduction <minsi>, %reduce_min3A_369, %reduce_min3A_370 [1, 2] : vector<1x1x1024xi32> to vector<1xi32>
    %reduce_min3A_372 = vector.shape_cast %reduce_min3A_371 : vector<1xi32> to vector<1x1x1xi32>
    %reduce_min3A_373 = vector.extract %reduce_min3A_372[0, 0, 0] : i32 from vector<1x1x1xi32>
    %gt3A_374 = arith.constant 0.000000e+00 : f32
    %gt3A_375 = arith.cmpf ogt, %reduce_max3A_363, %gt3A_374 : f32
    %convert_element_type3A_376 = arith.extui %gt3A_375 : i1 to i32
    %convert_element_type3A_377 = arith.sitofp %convert_element_type3A_376 : i32 to f32
    %eq3A_378 = vector.broadcast %reduce_min3A_373 : i32 to vector<1x1024xi32>
    %eq3A_379 = arith.cmpi eq, %iota3A, %eq3A_378 : vector<1x1024xi32>
    %jit3A_380 = arith.constant 0.000000e+00 : f32
    %broadcast_in_dim3A_381 = vector.broadcast %convert_element_type3A_377 : f32 to vector<1x1024xf32>
    %broadcast_in_dim3A_382 = vector.broadcast %jit3A_380 : f32 to vector<1x1024xf32>
    %select_n3A_383 = arith.select %eq3A_379, %broadcast_in_dim3A_381, %broadcast_in_dim3A_382 : vector<1x1024xi1>, vector<1x1024xf32>
    %add3A_384 = arith.addf %add3A_355, %select_n3A_383 : vector<1x1024xf32>
    %jit3A_385 = arith.constant 0xFF800000 : f32
    %broadcast_in_dim3A_386 = vector.broadcast %jit3A_385 : f32 to vector<1x1024xf32>
    %select_n3A_387 = arith.select %eq3A_379, %broadcast_in_dim3A_386, %select_n3A_358 : vector<1x1024xi1>, vector<1x1024xf32>
    %reduce_max3A_388 = vector.shape_cast %select_n3A_387 : vector<1x1024xf32> to vector<1x1x1024xf32>
    %reduce_max3A_389 = arith.constant dense<0xFF800000> : vector<1xf32>
    %reduce_max3A_390 = vector.multi_reduction <maximumf>, %reduce_max3A_388, %reduce_max3A_389 [1, 2] : vector<1x1x1024xf32> to vector<1xf32>
    %reduce_max3A_391 = vector.shape_cast %reduce_max3A_390 : vector<1xf32> to vector<1x1x1xf32>
    %reduce_max3A_392 = vector.extract %reduce_max3A_391[0, 0, 0] : f32 from vector<1x1x1xf32>
    %eq3A_393 = vector.broadcast %reduce_max3A_392 : f32 to vector<1x1024xf32>
    %eq3A_394 = arith.cmpf oeq, %select_n3A_387, %eq3A_393 : vector<1x1024xf32>
    %jit3A_395 = arith.constant 1024 : i32
    %broadcast_in_dim3A_396 = vector.broadcast %jit3A_395 : i32 to vector<1x1024xi32>
    %select_n3A_397 = arith.select %eq3A_394, %iota3A, %broadcast_in_dim3A_396 : vector<1x1024xi1>, vector<1x1024xi32>
    %reduce_min3A_398 = vector.shape_cast %select_n3A_397 : vector<1x1024xi32> to vector<1x1x1024xi32>
    %reduce_min3A_399 = arith.constant dense<2147483647> : vector<1xi32>
    %reduce_min3A_400 = vector.multi_reduction <minsi>, %reduce_min3A_398, %reduce_min3A_399 [1, 2] : vector<1x1x1024xi32> to vector<1xi32>
    %reduce_min3A_401 = vector.shape_cast %reduce_min3A_400 : vector<1xi32> to vector<1x1x1xi32>
    %reduce_min3A_402 = vector.extract %reduce_min3A_401[0, 0, 0] : i32 from vector<1x1x1xi32>
    %gt3A_403 = arith.constant 0.000000e+00 : f32
    %gt3A_404 = arith.cmpf ogt, %reduce_max3A_392, %gt3A_403 : f32
    %convert_element_type3A_405 = arith.extui %gt3A_404 : i1 to i32
    %convert_element_type3A_406 = arith.sitofp %convert_element_type3A_405 : i32 to f32
    %eq3A_407 = vector.broadcast %reduce_min3A_402 : i32 to vector<1x1024xi32>
    %eq3A_408 = arith.cmpi eq, %iota3A, %eq3A_407 : vector<1x1024xi32>
    %jit3A_409 = arith.constant 0.000000e+00 : f32
    %broadcast_in_dim3A_410 = vector.broadcast %convert_element_type3A_406 : f32 to vector<1x1024xf32>
    %broadcast_in_dim3A_411 = vector.broadcast %jit3A_409 : f32 to vector<1x1024xf32>
    %select_n3A_412 = arith.select %eq3A_408, %broadcast_in_dim3A_410, %broadcast_in_dim3A_411 : vector<1x1024xi1>, vector<1x1024xf32>
    %add3A_413 = arith.addf %add3A_384, %select_n3A_412 : vector<1x1024xf32>
    %jit3A_414 = arith.constant 0xFF800000 : f32
    %broadcast_in_dim3A_415 = vector.broadcast %jit3A_414 : f32 to vector<1x1024xf32>
    %select_n3A_416 = arith.select %eq3A_408, %broadcast_in_dim3A_415, %select_n3A_387 : vector<1x1024xi1>, vector<1x1024xf32>
    %reduce_max3A_417 = vector.shape_cast %select_n3A_416 : vector<1x1024xf32> to vector<1x1x1024xf32>
    %reduce_max3A_418 = arith.constant dense<0xFF800000> : vector<1xf32>
    %reduce_max3A_419 = vector.multi_reduction <maximumf>, %reduce_max3A_417, %reduce_max3A_418 [1, 2] : vector<1x1x1024xf32> to vector<1xf32>
    %reduce_max3A_420 = vector.shape_cast %reduce_max3A_419 : vector<1xf32> to vector<1x1x1xf32>
    %reduce_max3A_421 = vector.extract %reduce_max3A_420[0, 0, 0] : f32 from vector<1x1x1xf32>
    %eq3A_422 = vector.broadcast %reduce_max3A_421 : f32 to vector<1x1024xf32>
    %eq3A_423 = arith.cmpf oeq, %select_n3A_416, %eq3A_422 : vector<1x1024xf32>
    %jit3A_424 = arith.constant 1024 : i32
    %broadcast_in_dim3A_425 = vector.broadcast %jit3A_424 : i32 to vector<1x1024xi32>
    %select_n3A_426 = arith.select %eq3A_423, %iota3A, %broadcast_in_dim3A_425 : vector<1x1024xi1>, vector<1x1024xi32>
    %reduce_min3A_427 = vector.shape_cast %select_n3A_426 : vector<1x1024xi32> to vector<1x1x1024xi32>
    %reduce_min3A_428 = arith.constant dense<2147483647> : vector<1xi32>
    %reduce_min3A_429 = vector.multi_reduction <minsi>, %reduce_min3A_427, %reduce_min3A_428 [1, 2] : vector<1x1x1024xi32> to vector<1xi32>
    %reduce_min3A_430 = vector.shape_cast %reduce_min3A_429 : vector<1xi32> to vector<1x1x1xi32>
    %reduce_min3A_431 = vector.extract %reduce_min3A_430[0, 0, 0] : i32 from vector<1x1x1xi32>
    %gt3A_432 = arith.constant 0.000000e+00 : f32
    %gt3A_433 = arith.cmpf ogt, %reduce_max3A_421, %gt3A_432 : f32
    %convert_element_type3A_434 = arith.extui %gt3A_433 : i1 to i32
    %convert_element_type3A_435 = arith.sitofp %convert_element_type3A_434 : i32 to f32
    %eq3A_436 = vector.broadcast %reduce_min3A_431 : i32 to vector<1x1024xi32>
    %eq3A_437 = arith.cmpi eq, %iota3A, %eq3A_436 : vector<1x1024xi32>
    %jit3A_438 = arith.constant 0.000000e+00 : f32
    %broadcast_in_dim3A_439 = vector.broadcast %convert_element_type3A_435 : f32 to vector<1x1024xf32>
    %broadcast_in_dim3A_440 = vector.broadcast %jit3A_438 : f32 to vector<1x1024xf32>
    %select_n3A_441 = arith.select %eq3A_437, %broadcast_in_dim3A_439, %broadcast_in_dim3A_440 : vector<1x1024xi1>, vector<1x1024xf32>
    %add3A_442 = arith.addf %add3A_413, %select_n3A_441 : vector<1x1024xf32>
    %jit3A_443 = arith.constant 0xFF800000 : f32
    %broadcast_in_dim3A_444 = vector.broadcast %jit3A_443 : f32 to vector<1x1024xf32>
    %select_n3A_445 = arith.select %eq3A_437, %broadcast_in_dim3A_444, %select_n3A_416 : vector<1x1024xi1>, vector<1x1024xf32>
    %reduce_max3A_446 = vector.shape_cast %select_n3A_445 : vector<1x1024xf32> to vector<1x1x1024xf32>
    %reduce_max3A_447 = arith.constant dense<0xFF800000> : vector<1xf32>
    %reduce_max3A_448 = vector.multi_reduction <maximumf>, %reduce_max3A_446, %reduce_max3A_447 [1, 2] : vector<1x1x1024xf32> to vector<1xf32>
    %reduce_max3A_449 = vector.shape_cast %reduce_max3A_448 : vector<1xf32> to vector<1x1x1xf32>
    %reduce_max3A_450 = vector.extract %reduce_max3A_449[0, 0, 0] : f32 from vector<1x1x1xf32>
    %eq3A_451 = vector.broadcast %reduce_max3A_450 : f32 to vector<1x1024xf32>
    %eq3A_452 = arith.cmpf oeq, %select_n3A_445, %eq3A_451 : vector<1x1024xf32>
    %jit3A_453 = arith.constant 1024 : i32
    %broadcast_in_dim3A_454 = vector.broadcast %jit3A_453 : i32 to vector<1x1024xi32>
    %select_n3A_455 = arith.select %eq3A_452, %iota3A, %broadcast_in_dim3A_454 : vector<1x1024xi1>, vector<1x1024xi32>
    %reduce_min3A_456 = vector.shape_cast %select_n3A_455 : vector<1x1024xi32> to vector<1x1x1024xi32>
    %reduce_min3A_457 = arith.constant dense<2147483647> : vector<1xi32>
    %reduce_min3A_458 = vector.multi_reduction <minsi>, %reduce_min3A_456, %reduce_min3A_457 [1, 2] : vector<1x1x1024xi32> to vector<1xi32>
    %reduce_min3A_459 = vector.shape_cast %reduce_min3A_458 : vector<1xi32> to vector<1x1x1xi32>
    %reduce_min3A_460 = vector.extract %reduce_min3A_459[0, 0, 0] : i32 from vector<1x1x1xi32>
    %gt3A_461 = arith.constant 0.000000e+00 : f32
    %gt3A_462 = arith.cmpf ogt, %reduce_max3A_450, %gt3A_461 : f32
    %convert_element_type3A_463 = arith.extui %gt3A_462 : i1 to i32
    %convert_element_type3A_464 = arith.sitofp %convert_element_type3A_463 : i32 to f32
    %eq3A_465 = vector.broadcast %reduce_min3A_460 : i32 to vector<1x1024xi32>
    %eq3A_466 = arith.cmpi eq, %iota3A, %eq3A_465 : vector<1x1024xi32>
    %jit3A_467 = arith.constant 0.000000e+00 : f32
    %broadcast_in_dim3A_468 = vector.broadcast %convert_element_type3A_464 : f32 to vector<1x1024xf32>
    %broadcast_in_dim3A_469 = vector.broadcast %jit3A_467 : f32 to vector<1x1024xf32>
    %select_n3A_470 = arith.select %eq3A_466, %broadcast_in_dim3A_468, %broadcast_in_dim3A_469 : vector<1x1024xi1>, vector<1x1024xf32>
    %add3A_471 = arith.addf %add3A_442, %select_n3A_470 : vector<1x1024xf32>
    %mul3A_472 = vector.broadcast %add3A_471 : vector<1x1024xf32> to vector<16x1024xf32>
    %mul3A_473 = arith.mulf %convert_element_type3A_4, %mul3A_472 : vector<16x1024xf32>
    %swap3A = arith.constant 0 : index
    %swap3A_474 = arith.constant 0 : index
    %swap3A_475 = vector.load %arg1[%swap3A, %swap3A_474] : memref<16x1024xf32, #tpu.memory_space<vmem>>, vector<16x1024xf32>
    tpu.vector_store %arg1[%swap3A, %swap3A_474], %mul3A_473 {strides = array<i32>} : memref<16x1024xf32, #tpu.memory_space<vmem>>, vector<16x1024xf32>,
    return
  }
}

</mosaic_0001>

<sc_bundles>
// kernel: sparse-core-data-format-call.cloned.1.call-start
scs
called_computation_lowered:
.L_overlay_start_0:
0x0: {  	s2 =	sld [smem:$0x3FD9]  }
0x1: {  	s3 =	sld [smem:$0x3FFE];
	_ =	sdelay $0x1  }
0x2: {  	s1 =	srdreg.scid  }
0x3: {  	s0 =	sand.u32 $0x1, s1  }
0x4: {  	s18 =	sshll.u32 s0, $0xA;
	s2 =	sadd.s32 s3, s2  }
0x5: {  	s2 =	sadd.s32 s2, s18  }
0x6: {  	[smem:$0x3FC6] =	sst s2  }
0x7: {  	_ = 	snop  }
0x8: {  	s2 =	sld [smem:$0x3FC8];
	(tm) =	ssettm $0x1  }
0x9: {  	s19 =	sld [smem:$0x3FFB];
	_ =	sdelay $0x3  }
0xa: {  	_ =	strace s19  }
0xb: {  	s3 =	sld [smem:$0x3FFC];
	_ =	sdelay $0x3  }
0xc: {  	_ =	strace s3  }
0xd: {  	s3 =	sld [smem:$0x3FFD];
	_ =	sdelay $0x3  }
0xe: {  	_ =	strace s3  }
0xf: {  	_ =	strace $0x8FFFFFFF  }
0x10: {  	s20 =	sld [smem:$0x3FDB];
	_ =	sdelay $0x1  }
0x11: {  	s4 =	simm.s32 $_scs_section_size  }
0x12: {  	s5 =	simm.s32 $_size__tile_overlayer_lowered;
	s6 =	simm.s32 $_tile_overlayer_lowered  }
0x13: {  	s23 =	simm.s32 $0x1BFF;
	s22 =	sshll.u32 s6, $0x1;
	s3 =	sadd.s32 s4, s20  }
0x14: {  	s7 =	simm.s32 $0x0;
	s21 =	sshll.u32 s5, $0x1;
	s5 =	sadd.s32 s22, s3  }
0x15: {  	[timem:s7], [sflag:s23] =	dma.local [hbm:s5], s21  }
0x16: {  	_ =	swait.ge [sflag:s23], s21  }
0x17: {  	s4 =	ssub.s32 $0x0, s21;
	[sflag:s23] =	ssyncset.done $0x0  }
0x18: {  	[sflag:s23] =	ssyncadd.s32 s4;
	_ =	sdelay $0x1  }
0x19: {  	s24 =	simm.s32 $0x1B8B  }
0x1a: {  	_ =	swait.ge [sflag:s24], $0x1  }
0x1b: {  	[sflag:s24] =	ssyncset.done $0x0  }
0x1c: {  	s26 =	simm.s32 $0x1B8E;
	s25 =	sld [smem:$0x3FFE];
	[sflag:s24] =	ssyncadd.s32 $0xFFFFFFFF  }
0x1d: {  	s27 =	simm.s32 $execute0_lowered;
	[smem:$0x3FD2] =	sst s26  }
0x1e: {  	s5 =	sshll.u32 s27, $0x1;
	_ =	strace $0x80000046;
	[dreg:$0x1] =	wrdreg $0xFFFFFFFF  }
0x1f: {  	s28 =	simm.s32 $_size_execute0_lowered;
	s3 =	sadd.s32 s3, s5;
	[dreg:$0x0] =	wrdreg $0x0  }
0x20: {  	s5 =	sshll.u32 s28, $0x1;
	[dreg:$0x2] =	wrdreg s3  }
0x21: {  	[dreg:$0x3] =	wrdreg s5  }
0x22: {  	[dreg:$0x4] =	wrdreg $0xC0  }
0x23: {  	_ =	task [dreg:s7], $0x5FFFF  }
0x24: {  	[dreg:$0x1] =	wrdreg $0xFFFFFFFF  }
0x25: {  	[dreg:$0x0] =	wrdreg $0x60  }
0x26: {  	[dreg:$0x2] =	wrdreg s2  }
0x27: {  	[dreg:$0x3] =	wrdreg s25  }
0x28: {  	[dreg:$0x4] =	wrdreg $0x9  }
0x29: {  	_ =	task.clear_ibuf [dreg:s7], $0x5FFFF;
	_ =	strace $0x90000046  }
0x2a: {  	s29 =	simm.s32 $0x9;
	_ =	strace $0x80000048  }
0x2b: {  	_ =	swait.ge [sflag:s29], $0x1  }
0x2c: {  	[sflag:s29] =	ssyncadd.s32 $0xFFFFFFFF  }
0x2d: {  	_ =	strace $0x90000048  }
0x2e: {  	_ =	sfence  }
0x2f: {  	s30 =	sld [smem:$0x0];
	_ =	sdelay $0x2  }
0x30: {  	s31 =	sshll.u32 s1, $0xD;
	s1 =	sshrl.u32 s1, $0x2  }
0x31: {  	s3 =	sand.u32 $0x4000, s31;
	s1 =	sadd.s32 s1, s30  }
0x32: {  	s0 =	sor.u32 s3, s0;
	s1 =	sshll.u32 s1, $0x11  }
0x33: {  	s0 =	sor.u32 s1, s0  }
0x34: {  	s0 =	sadd.s32 $0x8F2B, s0  }
0x35: {  	[sflag:s0] =	ssyncadd.remote.s32 $0x1  }
0x36: {  	_ =	sfence.sel $0xFFFF  }
0x37: {  	[dreg:$0x0] =	wrdreg $0xFFFFFFFF;
	(pc) =	sbr.abs _section_cstart, $3  }
0x38: {  	[dreg:$0x1] =	wrdreg $0xFFFFFFFF  }
0x39: {  	_ =	task.clear_ibuf [dreg:s7], $0x2FFFF;
	_ =	strace $0x9FFFFFFF  }
0x3a: {  	(tm) =	ssettm $0x7FFFFFFF  }
0x3b: {  	_ =	shalt  }
tec
execute0_lowered:
.L_overlay_start_1:
0x0: {  	(tag) =	ssettag $0x1  }
0x1: {  	s2 =	rddreg [dreg:$0x0]  }
0x2: {  	s1 =	rddreg [dreg:$0x1]  }
0x3: {  	s0 =	rddreg [dreg:$0x2];
	_ =	strace $0x80000047;
	s4 =	srdreg.scid  }
0x4: {  	s6 =	simm.s32 $0x2;
	s12 =	simm.s32 $0x0;
	p0 =	por $0x0, $0x0  }
0x5: {  	s13 =	simm.s32 $0x0;
	s15 =	simm.s32 $0x0;
	s14 =	simm.s32 $0x0  }
.Ltmp0:
0x6: {  	s8 =	simm.s32 $0x0;
	s9 =	simm.s32 $0x0;
	(pc) =	sbr.rel .LBB1_1-.Ltmp0, $4  }
0x7: {  	s10 =	simm.s32 $0x0;
	s3 =	sadd.s32 $0x600, s1;
	s5 =	sshll.u32 s4, $0x4  }
0x8: {  	s1 =	stileid.u32;
	s4 =	simm.s32 $0x1;
	s5 =	sand.u32 $0x10, s5  }
0x9: {  	s7 =	simm.s32 $0x0;
	[sflag:s4] =	ssyncpa.u1 $0x0;
	s5 =	sor.u32 s1, s5  }
0xa: {  	[sflag:s6] =	ssyncpa.u1 $0x0;
	s6 =	simm.s32 $0x800;
	s11 =	smov.u32 s5  }
.LBB1_5:
0xb: {  	s16 =	sadd.s32 $0x80, s8  }
0xc: {  	s12 =	sadd.s32 $0x80, s9;
	s17 =	smov.u32 s9;
	p2 =	sgt.s32 s16, $0xFF  }
0xd: {  	s17 =	smov.u32 @p2 s12  }
0xe: {  	s12 =	simm.s32 $0x1;
	p3 =	sgt.s32 s17, $0xFF  }
0xf: {  	s12 =	simm.s32 @!p3 $0x0  }
0x10: {  	s18 =	sadd.s32 s12, s10  }
0x11: {  	s19 =	smov.u32 s11;
	s12 =	sadd.s32 $0x20, s11;
	p4 =	sgt.s32 s18, $0x7  }
0x12: {  	p1 =	slt.u32 s7, $0x2;
	s19 =	smov.u32 @p4 s12  }
0x13: {  	s7 =	sadd.s32 $0x1, s7;
	s16 =	simm.s32 @p2 $0x0;
	p2 =	sgt.s32 s19, $0x7F  }
0x14: {  	s20 =	simm.s32 @!p1 $0x2;
	s19 =	smov.u32 @p2 s5;
	p2 =	sne.s32 s7, $0x82  }
.Ltmp1:
0x15: {  	s13 =	smov.u32 s9;
	_ =	swait.ge @!p1 [sflag:s20], $0x4000;
	(pc) =	sbr.rel @!p2 .LBB1_6-.Ltmp1, $4  }
0x16: {  	s15 =	smov.u32 s10;
	s14 =	smov.u32 s11;
	[sflag:s20] =	ssyncset.done @!p1 $0x0  }
0x17: {  	p0 =	por !p0, !p0;
	s17 =	simm.s32 @p3 $0x0;
	[sflag:s20] =	ssyncadd.s32 @!p1 $0xFFFFC000  }
0x18: {  	s9 =	smov.u32 s17;
	s18 =	simm.s32 @p4 $0x0;
	s12 =	smov.u32 s8  }
0x19: {  	s8 =	smov.u32 s16;
	s10 =	smov.u32 s18;
	s11 =	smov.u32 s19  }
.LBB1_1:
0x1a: {  	p1 =	sgt.u32 s7, $0x7F  }
0x1b: {  	s16 =	sxor.u32 @!p1 $0xFFFFFFFF, s7;
	s17 =	sand.u32 @!p1 $0x78, s8;
	s18 =	sshll.u32 @!p1 s9, $0x8  }
0x1c: {  	s19 =	sshll.u32 @!p1 s8, $0x3;
	s20 =	sshll.u32 @!p1 s9, $0x7;
	s16 =	sshll.u32 @!p1 s16, $0xE  }
0x1d: {  	s18 =	sand.u32 @!p1 $0xF800, s18;
	s19 =	sand.u32 @!p1 $0xFC00, s19;
	s16 =	sand.u32 @!p1 $0x4000, s16  }
0x1e: {  	s18 =	sadd.s32 @!p1 s18, s19;
	s19 =	sand.u32 @!p1 $0x300, s20;
	s20 =	sand.u32 @!p1 $0x80, s20  }
0x1f: {  	s18 =	sor.u32 @!p1 s19, s18;
	s17 =	sor.u32 @!p1 s17, s20;
	s19 =	sshll.u32 @!p1 s11, $0x10  }
0x20: {  	s20 =	sshll.u32 @!p1 s10, $0xD;
	s18 =	sshrl.u32 @!p1 s18, $0x3;
	s19 =	sadd.s32 @!p1 s2, s19  }
0x21: {  	s17 =	sshrl.u32 @!p1 s17, $0x3;
	s19 =	sadd.s32 @!p1 s20, s19;
	s20 =	sand.u32 @!p1 $0x7, s8  }
0x22: {  	s18 =	sand.u32 @!p1 $0x1FE0, s18;
	s17 =	sadd.s32 @!p1 s17, s19;
	s19 =	sshll.u32 @!p1 s20, $0x12  }
0x23: {  	s17 =	sadd.s32 @!p1 s18, s17;
	s18 =	sor.u32 @!p1 $0x400, s19;
	s19 =	simm.s32 @!p1 $0x800  }
0x24: {  	[tilespmem:s16], [sflag:$0x1] =	stream.strided.gather @!p1 [hbm4b:s17+s18], $0x4000, s19, s18, $0x38;
	[tilespmem:$0x10000] =	vst v63  }
0x25: {  	p1 =	seq.s32 s7, $0x0  }
0x26: {  	p2 =	seq.s32 @!p1 s7, $0x81  }
0x27: {  	p1 =	por p1, p2  }
.Ltmp2:
0x28: {  	_ = 	snop;
	(pc) =	sbr.rel @p1 .LBB1_5-.Ltmp2, $1  }
0x29: {  	_ =	sdelay $0x3  }
0x2a: {  	s16 =	simm.s32 $0x1  }
0x2b: {  	s16 =	simm.s32 @!p0 $0x0  }
0x2c: {  	s16 =	sshll.u32 s16, $0xE  }
0x2d: {  	s17 =	sor.u32 $0x40, s16  }
0x2e: {  	v1 =	vmov s17;
	_ =	sdelay $0x1  }
0x2f: {  	_ =	swait.ge [sflag:s4], $0x4000  }
0x30: {  	[sflag:s4] =	ssyncset.done $0x0  }
0x31: {  	s18 =	simm.s32 $0x0;
	[sflag:s4] =	ssyncadd.s32 $0xFFFFC000  }
0x32: {  	s16 =	sor.u32 $0x8070, s16;
	v7 =	vld.idx.msk [tilespmem:v1+s18+$0x30 ss:$0x1], $0xffff  }
0x33: {  	v0 =	vmov s16;
	v8 =	vld.idx.msk [tilespmem:v1+s18+$0xFFFFFFC0 ss:$0x1], $0xffff  }
0x34: {  	v6 =	vld.idx.msk [tilespmem:v1+s18+$0xFFFFFFD0 ss:$0x1], $0xffff  }
0x35: {  	v4 =	vld.idx.msk [tilespmem:v1+s18+$0xFFFFFFE0 ss:$0x1], $0xffff  }
0x36: {  	v2 =	vld.idx.msk [tilespmem:v1+s18+$0xFFFFFFF0 ss:$0x1], $0xffff  }
0x37: {  	s31 =	sshll.u32 s7, $0xE;
	v3 =	vld.idx.msk [tilespmem:v1+s18+$0x0 ss:$0x1], $0xffff  }
0x38: {  	s16 =	sand.u32 $0x4000, s31;
	v5 =	vld.idx.msk [tilespmem:v1+s18+$0x10 ss:$0x1], $0xffff;
	[tilespmem:v0+s18+$0x0 ss:$0x1] =	vst.idx.msk $0xffff, v7  }
0x39: {  	s19 =	simm.s32 $0x400;
	s17 =	simm.s32 $0x80;
	s16 =	sor.u32 $0x8000, s16;
	[tilespmem:v0+s18+$0xFFFFFF90 ss:$0x1] =	vst.idx.msk $0xffff, v8;
	v7 =	vld.idx.msk [tilespmem:v1+s18+$0x20 ss:$0x1], $0xffff  }
.LBB1_3:
0x3a: {  	p1 =	sne.s32 s19, $0xFE00;
	v8 =	vld.idx.msk [tilespmem:v1+s17+$0x30 ss:$0x1], $0xffff;
	[tilespmem:v0+s18+$0xFFFFFFA0 ss:$0x1] =	vst.idx.msk $0xffff, v6  }
0x3b: {  	v9 =	vld.idx.msk [tilespmem:v1+s17+$0xFFFFFFC0 ss:$0x1], $0xffff;
	[tilespmem:v0+s18+$0xFFFFFFB0 ss:$0x1] =	vst.idx.msk $0xffff, v4  }
0x3c: {  	v6 =	vld.idx.msk [tilespmem:v1+s17+$0xFFFFFFD0 ss:$0x1], $0xffff;
	[tilespmem:v0+s18+$0xFFFFFFC0 ss:$0x1] =	vst.idx.msk $0xffff, v2  }
.Ltmp3:
0x3d: {  	v4 =	vld.idx.msk [tilespmem:v1+s17+$0xFFFFFFE0 ss:$0x1], $0xffff;
	[tilespmem:v0+s18+$0xFFFFFFD0 ss:$0x1] =	vst.idx.msk $0xffff, v3;
	(pc) =	sbr.rel @p1 .LBB1_3-.Ltmp3, $4  }
0x3e: {  	v2 =	vld.idx.msk [tilespmem:v1+s17+$0xFFFFFFF0 ss:$0x1], $0xffff;
	[tilespmem:v0+s18+$0xFFFFFFE0 ss:$0x1] =	vst.idx.msk $0xffff, v5  }
0x3f: {  	v3 =	vld.idx.msk [tilespmem:v1+s17+$0x0 ss:$0x1], $0xffff;
	[tilespmem:v0+s18+$0xFFFFFFF0 ss:$0x1] =	vst.idx.msk $0xffff, v7;
	s18 =	smov.u32 s17  }
0x40: {  	v5 =	vld.idx.msk [tilespmem:v1+s18+$0x10 ss:$0x1], $0xffff;
	[tilespmem:v0+s18+$0x0 ss:$0x1] =	vst.idx.msk $0xffff, v8  }
0x41: {  	s17 =	sshra.s32 s19, $0x2;
	s19 =	sadd.s32 $0x200, s19;
	[tilespmem:v0+s18+$0xFFFFFF90 ss:$0x1] =	vst.idx.msk $0xffff, v9;
	v7 =	vld.idx.msk [tilespmem:v1+s18+$0x20 ss:$0x1], $0xffff  }
0x42: {  	_ =	sdelay $0x3  }
0x43: {  	[tilespmem:v0+s18+$0xFFFFFFA0 ss:$0x1] =	vst.idx.msk $0xffff, v6  }
0x44: {  	v56 =	vld.idx.msk [tilespmem:v1+s17+$0x30 ss:$0x1], $0xffff;
	[tilespmem:v0+s18+$0xFFFFFFB0 ss:$0x1] =	vst.idx.msk $0xffff, v4  }
0x45: {  	v57 =	vld.idx.msk [tilespmem:v1+s17+$0xFFFFFFC0 ss:$0x1], $0xffff;
	[tilespmem:v0+s18+$0xFFFFFFC0 ss:$0x1] =	vst.idx.msk $0xffff, v2  }
0x46: {  	v58 =	vld.idx.msk [tilespmem:v1+s17+$0xFFFFFFD0 ss:$0x1], $0xffff;
	[tilespmem:v0+s18+$0xFFFFFFD0 ss:$0x1] =	vst.idx.msk $0xffff, v3  }
0x47: {  	v59 =	vld.idx.msk [tilespmem:v1+s17+$0xFFFFFFE0 ss:$0x1], $0xffff;
	[tilespmem:v0+s18+$0xFFFFFFE0 ss:$0x1] =	vst.idx.msk $0xffff, v5  }
0x48: {  	v60 =	vld.idx.msk [tilespmem:v1+s17+$0xFFFFFFF0 ss:$0x1], $0xffff;
	[tilespmem:v0+s18+$0xFFFFFFF0 ss:$0x1] =	vst.idx.msk $0xffff, v7  }
0x49: {  	v61 =	vld.idx.msk [tilespmem:v1+s17+$0x0 ss:$0x1], $0xffff;
	[tilespmem:v0+s17+$0x0 ss:$0x1] =	vst.idx.msk $0xffff, v56  }
0x4a: {  	v62 =	vld.idx.msk [tilespmem:v1+s17+$0x10 ss:$0x1], $0xffff;
	[tilespmem:v0+s17+$0xFFFFFF90 ss:$0x1] =	vst.idx.msk $0xffff, v57  }
0x4b: {  	s15 =	sshll.u32 s15, $0x7;
	v63 =	vld.idx.msk [tilespmem:v1+s17+$0x20 ss:$0x1], $0xffff;
	s29 =	sand.u32 $0x78, s12;
	s30 =	sshll.u32 s12, $0x3;
	[tilespmem:v0+s17+$0xFFFFFFA0 ss:$0x1] =	vst.idx.msk $0xffff, v58  }
0x4c: {  	s14 =	sshll.u32 s14, $0x10;
	s13 =	sshll.u32 s13, $0x8;
	s15 =	sand.u32 $0x380, s15;
	[tilespmem:v0+s17+$0xFFFFFFB0 ss:$0x1] =	vst.idx.msk $0xffff, v59  }
.Ltmp4:
0x4d: {  	s15 =	sor.u32 s29, s15;
	s18 =	sand.u32 $0x400, s30;
	[tilespmem:v0+s17+$0xFFFFFFC0 ss:$0x1] =	vst.idx.msk $0xffff, v60;
	(pc) =	sbr.rel .LBB1_5-.Ltmp4, $4  }
0x4e: {  	s31 =	sand.u32 $0x7, s12;
	s14 =	sadd.s32 s3, s14;
	[tilespmem:v0+s17+$0xFFFFFFD0 ss:$0x1] =	vst.idx.msk $0xffff, v61;
	s15 =	sor.u32 s18, s15  }
0x4f: {  	s12 =	sshll.u32 s31, $0x12;
	s13 =	sadd.s32 s13, s14;
	[tilespmem:v0+s17+$0xFFFFFFE0 ss:$0x1] =	vst.idx.msk $0xffff, v62;
	s15 =	sshrl.u32 s15, $0x3  }
0x50: {  	s12 =	sor.u32 $0x80, s12;
	[tilespmem:v0+s17+$0xFFFFFFF0 ss:$0x1] =	vst.idx.msk $0xffff, v63;
	s13 =	sadd.s32 s15, s13  }
0x51: {  	[hbm4b:s13+s12] =	stream.strided.scatter [tilespmem:s16], [sflag:$0x2], $0x4000, s6, s12, $0x38;
	[tilespmem:$0x10000] =	vst v63  }
.LBB1_6:
0x52: {  	_ =	sfence.sel $0x180000  }
0x53: {  	s2 =	simm.s32 $0x1;
	[bflag:$0x0] =	sbarrier.arrive $0xFFFF  }
0x54: {  	s31 =	simm.s32 $0x2;
	[sflag:s2] =	ssyncpa.u1 $0x1  }
0x55: {  	[sflag:s31] =	ssyncpa.u1 $0x1  }
0x56: {  	p0 =	sne.s32 s1, $0x0;
	_ =	strace $0x90000047  }
0x57: {  	s0 =	sadd.s32 @!p0 $0x100000, s0;
	[bflag:$0x2] =	sbarrier.arrive $0xFFFF  }
0x58: {  	[sflag:s0] =	ssyncadd.tile.s32 @!p0 $0x1;
	_ =	shalt  }
.Lfunc_end1:
_tile_overlayer_lowered:
.L_overlay_start_2:
0x59: {  	(tag) =	ssettag $0x2  }
0x5a: {  	s0 =	rddreg [dreg:$0x0];
	s2 =	stileid.u32  }
0x5b: {  	s1 =	rddreg [dreg:$0x1];
	p0 =	sne.s32 s2, $0x0  }
0x5c: {  	s3 =	rddreg [dreg:$0x2];
	[bflag:$0x3] =	sbarrier.arrive $0xFFFF;
	s2 =	simm.s32 @!p0 $0x1C01  }
0x5d: {  	[timem:s3], [sflag:s2] =	dma.local @!p0 [hbm:s0], s1  }
0x5e: {  	s0 =	simm.s32 @!p0 $0x1  }
0x5f: {  	_ =	swait.ge @!p0 [sflag:s0], s1  }
0x60: {  	s1 =	ssub.s32 @!p0 $0x0, s1;
	[sflag:s0] =	ssyncset.done @!p0 $0x0  }
0x61: {  	[sflag:s0] =	ssyncadd.s32 @!p0 s1  }
0x62: {  	[bflag:$0x3] =	sbarrier.arrive $0xFFFF  }
0x63: {  	_ =	shalt  }

</sc_bundles>
